<compile_context>
chip_gen: v7x
topology: tpu7x:2x2x1
jax: 0.10.2.dev20260603
libtpu: 0.0.44.dev20260713+nightly
codegen_flags: <defaults>
</compile_context>

<pallas_src>
import functools

import jax
import jax.numpy as jnp
from jax import lax
from jax.experimental import pallas as pl
from jax.experimental.pallas import tpu as pltpu
from jax.experimental.pallas import tpu_sc as plsc

D = 128
NV = 64
B = 1024
T = 200
P = B * T
NUM_CORES = 2
NUM_SUBCORES = 16
NW = NUM_CORES * NUM_SUBCORES
SLICES = 1
PS = P // SLICES
PW = PS // NW
WB = 2
GROUPS = PW // 128
NGRP = GROUPS // WB
NSLOT = 3
TC_BLK = 5120
NBLK_S = PS // TC_BLK
NBLK = P // TC_BLK


def _sc_gather(cid_hbm, table_hbm, ecat_hbm, idx_v, rows_v, gsem, wsem):
    wid = lax.axis_index("s") * NUM_CORES + lax.axis_index("c")
    base = wid * GROUPS
    pltpu.sync_copy(cid_hbm.at[pl.ds(wid * PW, PW)], idx_v)

    def g_start(i, slot):
        for k in range(WB):
            pltpu.async_copy(
                table_hbm.at[idx_v.at[pl.ds((i * WB + k) * 128, 128)]],
                rows_v.at[slot, k], gsem)

    def g_wait(slot):
        for k in range(WB):
            pltpu.make_async_copy(
                table_hbm.at[idx_v.at[pl.ds(0, 128)]],
                rows_v.at[slot, k], gsem).wait()

    def w_start(i, slot):
        pltpu.async_copy(
            rows_v.at[slot], ecat_hbm.at[pl.ds(base + i * WB, WB)],
            wsem)

    def w_wait(slot):
        pltpu.make_async_copy(
            rows_v.at[slot], ecat_hbm.at[pl.ds(base, WB)], wsem).wait()

    g_start(0, 0)

    def body(i, carry):
        slot = lax.rem(i, NSLOT)

        @pl.when(i >= 2)
        def _():
            w_wait(lax.rem(i - 2, NSLOT))

        @pl.when(i + 1 < NGRP)
        def _():
            g_start(i + 1, lax.rem(i + 1, NSLOT))

        g_wait(slot)
        w_start(i, slot)
        return carry

    lax.fori_loop(0, NGRP, body, 0)
    w_wait(lax.rem(NGRP - 2, NSLOT))
    w_wait(lax.rem(NGRP - 1, NSLOT))


@functools.lru_cache(maxsize=None)
def _sc_gather_call():
    return pl.kernel(
        _sc_gather,
        out_type=jax.ShapeDtypeStruct((PS // 128, 128, D), jnp.float32),
        mesh=plsc.VectorSubcoreMesh(
            core_axis_name="c", subcore_axis_name="s",
            num_cores=NUM_CORES, num_subcores=NUM_SUBCORES,
        ),
        scratch_types=[
            pltpu.VMEM((PW,), jnp.int32),
            pltpu.VMEM((NSLOT, WB, 128, D), jnp.float32),
            pltpu.SemaphoreType.DMA,
            pltpu.SemaphoreType.DMA,
        ],
    )


def _tc_body(vidf_ref, val_ref, ecat_ref, ones64_ref, ones128_ref,
             cols4_ref, w1r_ref, b1r_ref, w2_ref, b2r_ref, invd_ref, g_ref,
             be_ref, out_ref):
    vid = vidf_ref[:, :]
    val = val_ref[:, :]
    f32 = jnp.float32
    dot = lambda a, b: jnp.dot(a, b, preferred_element_type=f32)
    vidb = dot(vid, ones64_ref[:, :])
    eq = vidb == lax.broadcasted_iota(jnp.int32, (TC_BLK, NV), 1).astype(f32)
    oh = jnp.where(eq, 1.0, 0.0)
    scal = dot(oh, cols4_ref[:, :])
    isg = scal[:, 0:1]
    misg = scal[:, 1:2]
    an = scal[:, 2:3]
    xstd = val * isg - misg
    h = jnp.maximum(dot(xstd, w1r_ref[:, :]) + b1r_ref[0:1, :], 0.0)
    e_num = dot(h, w2_ref[:, :]) + b2r_ref[0:1, :]
    anb = dot(an, ones128_ref[:, :])
    ecat = ecat_ref[:, :]
    e_val = ecat + anb * (e_num - ecat)
    m = dot(e_val, invd_ref[:, 0:1])
    s2 = dot(e_val * e_val, invd_ref[:, 1:2])
    r = lax.rsqrt(s2 - m * m + 1e-5)
    rb = dot(r, g_ref[:, :])
    cb = dot(-m * r, g_ref[:, :])
    out_ref[:, :] = e_val * rb + (cb + be_ref[0:1, :])


def _small2d(shape):
    return pl.BlockSpec(shape, lambda i: (0,) * len(shape))


def _tc_specs(s, aliased):
    off = s * NBLK_S
    specs = [
        pl.BlockSpec((TC_BLK, 1), lambda i: (off + i, 0)),
        pl.BlockSpec((TC_BLK, 1), lambda i: (off + i, 0)),
        pl.BlockSpec((TC_BLK, D), lambda i: (i, 0)),
        _small2d((1, NV)),
        _small2d((1, D)),
        _small2d((NV, 4)),
        _small2d((1, 16)),
        _small2d((1, 16)),
        _small2d((16, D)),
        _small2d((1, D)),
        _small2d((D, 2)),
        _small2d((1, D)),
        _small2d((1, D)),
    ]
    if aliased:
        specs.append(pl.BlockSpec(memory_space=pl.ANY))
    return specs


def _tc_body_nop(*refs):
    _tc_body(*refs[:13], refs[-1])


def _tc_forward(e_cats, variate_ids, value_num, cat_ids, variate_type,
                numeric_means, numeric_stds, w1, b1, w2, b2, gamma, beta,
                interpret=False):
    f32 = jnp.float32
    isg = 1.0 / (numeric_stds + 1e-6)
    misg = numeric_means * isg
    an = (variate_type == 0).astype(f32)
    cols4 = jnp.stack([isg, misg, an, jnp.zeros((NV,), f32)], axis=1)
    consts = (jnp.ones((1, NV), f32), jnp.ones((1, D), f32), cols4,
              w1.reshape(1, 16), b1.reshape(1, 16), w2,
              b2.reshape(1, D), jnp.full((D, 2), 1.0 / D, f32),
              gamma.reshape(1, D), beta.reshape(1, D))
    vidf = variate_ids.astype(f32).reshape(P, 1)
    valf = value_num.reshape(P, 1)

    out = None
    for s in range(SLICES):
        off = s * NBLK_S

        def omap(i, off=off):
            return (off + i, 0)

        aliased = out is not None
        call = pl.pallas_call(
            _tc_body_nop if aliased else _tc_body,
            grid=(NBLK_S,),
            in_specs=_tc_specs(s, aliased),
            out_specs=pl.BlockSpec((TC_BLK, D), omap),
            out_shape=jax.ShapeDtypeStruct((P, D), f32),
            input_output_aliases={13: 0} if aliased else {},
            interpret=interpret,
        )
        args = (vidf, valf, e_cats[s]) + consts
        if aliased:
            args = args + (out,)
        out = call(*args)
    return out


def kernel(variate_ids, value_num, cat_ids, variate_type, numeric_means,
           numeric_stds, w1, b1, w2, b2, cat_table, gamma, beta):
    gather_ids = jnp.maximum(cat_ids.reshape(P), 0)
    sc = _sc_gather_call()
    e_cats = [sc(lax.slice_in_dim(gather_ids, s * PS, (s + 1) * PS),
                 cat_table).reshape(PS, D)
              for s in range(SLICES)]

    out = _tc_forward(e_cats, variate_ids, value_num, cat_ids, variate_type,
                      numeric_means, numeric_stds, w1, b1, w2, b2, gamma,
                      beta)
    return out.reshape(B, T, D)

# --- scband reference (transcript-rebuilt; emitter-appended) ---
"""Pipeline reference for scband-event-value-embedding-24739011625041 (READ-ONLY COPY).

The authoritative reference and input builder live on the scoring server;
editing this copy changes nothing except your own understanding.
"""

import jax, jax.numpy as jnp
import numpy as np

D = 128
NV = 64
NC = 100000
B = 1024
T = 200


def setup_inputs(seed: int = 0) -> dict:
    key = jax.random.key(seed)
    ks = jax.random.split(key, 8)
    variate_ids = jax.random.randint(ks[0], (B, T), 0, NV, dtype=jnp.int32)
    value_num = jax.random.normal(ks[1], (B, T), dtype=jnp.float32)
    cat_ids = jax.random.randint(ks[2], (B, T), 0, NC, dtype=jnp.int32)
    variate_type = jnp.tile(jnp.array([0, 1], dtype=jnp.int32), NV // 2)
    numeric_means = jnp.zeros((NV,), jnp.float32)
    numeric_stds = jnp.ones((NV,), jnp.float32)
    w1 = jax.random.normal(ks[3], (16,), jnp.float32) * 0.5
    b1 = jnp.zeros((16,), jnp.float32)
    w2 = jax.random.normal(ks[4], (16, D), jnp.float32) * 0.1
    b2 = jnp.zeros((D,), jnp.float32)
    cat_table = jax.random.normal(ks[5], (NC, D), jnp.float32) * 0.02
    gamma = jnp.ones((D,), jnp.float32)
    beta = jnp.zeros((D,), jnp.float32)
    return dict(variate_ids=variate_ids, value_num=value_num, cat_ids=cat_ids,
                variate_type=variate_type, numeric_means=numeric_means, numeric_stds=numeric_stds,
                w1=w1, b1=b1, w2=w2, b2=b2, cat_table=cat_table, gamma=gamma, beta=beta)


def reference(variate_ids, value_num, cat_ids, variate_type, numeric_means, numeric_stds,
              w1, b1, w2, b2, cat_table, gamma, beta):
    # buffer gathers indexed by variate id
    var_types = jnp.take(variate_type, variate_ids, axis=0)          # [B,T]
    mu = jnp.take(numeric_means, variate_ids, axis=0)                # [B,T]
    sigma = jnp.take(numeric_stds, variate_ids, axis=0)              # [B,T]
    # numeric path: standardize then tiny MLP (Linear(1,16) -> ReLU -> Linear(16,D))
    v = (value_num - mu) / (sigma + 1e-6)                            # [B,T]
    h = jax.nn.relu(v[..., None] * w1 + b1)                          # [B,T,16]
    e_num_full = h @ w2 + b2                                         # [B,T,D]
    mask_num = (var_types == 0)[..., None]
    e_value = jnp.where(mask_num, e_num_full, jnp.float32(0.0))
    # categorical path: embedding gather with clamped ids, masked write
    cat_ids_clamped = jnp.where(cat_ids < 0, 0, cat_ids)
    e_cat_full = jnp.take(cat_table, cat_ids_clamped, axis=0)        # [B,T,D]
    mask_cat = ((var_types == 1) & (cat_ids >= 0))[..., None]
    e_value = jnp.where(mask_cat, e_cat_full, e_value)
    # LayerNorm over last dim (eps=1e-5, affine)
    mean = jnp.mean(e_value, axis=-1, keepdims=True)
    var = jnp.var(e_value, axis=-1, keepdims=True)
    out = (e_value - mean) / jnp.sqrt(var + 1e-5) * gamma + beta
    return out

if __name__ == "__main__":
    import jax
    _d = setup_inputs()
    print(jax.jit(kernel)(*tuple(_d.values())))

</pallas_src>

<mosaic_0001>
#map = affine_map<(d0, d1) -> (0)>
#map1 = affine_map<(d0, d1) -> (0, 0)>
#map2 = affine_map<(d0, d1) -> (0, 0, 0)>
module attributes {stable_mosaic.version = 14 : i64} {
  func.func @_sc_gather(%arg0: i32, %arg1: i32, %arg2: memref<204800xi32, #tpu.memory_space<hbm>>, %arg3: memref<100000x128xf32, #tpu.memory_space<hbm>>, %arg4: memref<1600x128x128xf32, #tpu.memory_space<hbm>>, %arg5: memref<6400xi32, #tpu.memory_space<vmem>>, %arg6: memref<3x2x128x128xf32, #tpu.memory_space<vmem>>, %arg7: memref<!tpu.dma_semaphore, #tpu.memory_space<semaphore_mem>>, %arg8: memref<!tpu.dma_semaphore, #tpu.memory_space<semaphore_mem>>) attributes {dimension_semantics = [#tpu.dimension_semantics<core_parallel>, #tpu.dimension_semantics<subcore_parallel>], iteration_bounds = array<i64: 2, 16>, scalar_prefetch = 0 : i64, scratch_operands = 4 : i64, tpu.core_type = #tpu.core_type<sc_vector_subcore>, window_params = [{transform_indices = #map}, {transform_indices = #map1}, {transform_indices = #map2}]} {
    %mul3A = arith.constant 2 : i32
    %mul3A_0 = arith.muli %arg1, %mul3A : i32
    %add3A = arith.addi %mul3A_0, %arg0 : i32
    %mul3A_1 = arith.constant 50 : i32
    %mul3A_2 = arith.muli %add3A, %mul3A_1 : i32
    %mul3A_3 = arith.constant 6400 : i32
    %mul3A_4 = arith.muli %add3A, %mul3A_3 : i32
    "tpu.region"() ({
      %run_scoped3A = tpu.sem_alloc : memref<!tpu.dma_semaphore, #tpu.memory_space<semaphore_mem>>
      %dma_start3A_67 = tpu.memref_slice %arg2[%mul3A_4] : memref<204800xi32, #tpu.memory_space<hbm>> -> memref<6400xi32, #tpu.memory_space<hbm>>
      %dma_start3A_68 = tpu.memref_slice %arg2[%mul3A_4] : memref<204800xi32, #tpu.memory_space<hbm>> -> memref<6400xi32, #tpu.memory_space<hbm>>
      tpu.enqueue_dma source(%dma_start3A_68 : memref<6400xi32, #tpu.memory_space<hbm>>) target(%arg5 : memref<6400xi32, #tpu.memory_space<vmem>>) target_semaphore(%run_scoped3A : memref<!tpu.dma_semaphore, #tpu.memory_space<semaphore_mem>>)
      %dma_wait3A_69 = tpu.memref_slice %arg2[%mul3A_4] : memref<204800xi32, #tpu.memory_space<hbm>> -> memref<6400xi32, #tpu.memory_space<hbm>>
      %dma_wait3A_70 = tpu.memref_slice %arg2[%mul3A_4] : memref<204800xi32, #tpu.memory_space<hbm>> -> memref<6400xi32, #tpu.memory_space<hbm>>
      tpu.wait_dma2 semaphore(%run_scoped3A : memref<!tpu.dma_semaphore, #tpu.memory_space<semaphore_mem>>) src(%dma_wait3A_70 : memref<6400xi32, #tpu.memory_space<hbm>>) dst(%arg5 : memref<6400xi32, #tpu.memory_space<vmem>>)
      tpu.yield
    }) : () -> ()
    %dma_start3A = arith.constant 0 : i32
    %dma_start3A_5 = arith.constant 0 : i32
    %dma_start3A_6 = arith.constant 0 : i32
    %dma_start3A_7 = arith.constant 0 : i32
    %dma_start3A_8 = tpu.memref_slice %arg6[%dma_start3A, %dma_start3A_5, %dma_start3A_6, %dma_start3A_7] : memref<3x2x128x128xf32, #tpu.memory_space<vmem>> -> memref<1x1x128x128xf32, #tpu.memory_space<vmem>>
    %dma_start3A_9 = tpu.memref_squeeze %dma_start3A_8 : memref<1x1x128x128xf32, #tpu.memory_space<vmem>> -> memref<128x128xf32, #tpu.memory_space<vmem>>
    %dma_start3A_10 = arith.constant 0 : i32
    %dma_start3A_11 = tpu.memref_slice %arg5[%dma_start3A_10] : memref<6400xi32, #tpu.memory_space<vmem>> -> memref<128xi32, #tpu.memory_space<vmem>>
    %dma_start3A_12 = arith.constant 0 : i32
    %dma_start3A_13 = arith.constant 0 : i32
    %dma_start3A_14 = tpu.memref_slice %arg3[%dma_start3A_12, %dma_start3A_13] : memref<100000x128xf32, #tpu.memory_space<hbm>> -> memref<100000x128xf32, #tpu.memory_space<hbm>>
    tpu.enqueue_indirect_dma source(%dma_start3A_14 : memref<100000x128xf32, #tpu.memory_space<hbm>>) target(%dma_start3A_9 : memref<128x128xf32, #tpu.memory_space<vmem>>) offsets(%dma_start3A_11 : memref<128xi32, #tpu.memory_space<vmem>>) semaphore(%arg7 : memref<!tpu.dma_semaphore, #tpu.memory_space<semaphore_mem>>)
    %dma_start3A_15 = arith.constant 0 : i32
    %dma_start3A_16 = arith.constant 1 : i32
    %dma_start3A_17 = arith.constant 0 : i32
    %dma_start3A_18 = arith.constant 0 : i32
    %dma_start3A_19 = tpu.memref_slice %arg6[%dma_start3A_15, %dma_start3A_16, %dma_start3A_17, %dma_start3A_18] : memref<3x2x128x128xf32, #tpu.memory_space<vmem>> -> memref<1x1x128x128xf32, #tpu.memory_space<vmem>>
    %dma_start3A_20 = tpu.memref_squeeze %dma_start3A_19 : memref<1x1x128x128xf32, #tpu.memory_space<vmem>> -> memref<128x128xf32, #tpu.memory_space<vmem>>
    %dma_start3A_21 = arith.constant 128 : i32
    %dma_start3A_22 = tpu.memref_slice %arg5[%dma_start3A_21] : memref<6400xi32, #tpu.memory_space<vmem>> -> memref<128xi32, #tpu.memory_space<vmem>>
    %dma_start3A_23 = arith.constant 0 : i32
    %dma_start3A_24 = arith.constant 0 : i32
    %dma_start3A_25 = tpu.memref_slice %arg3[%dma_start3A_23, %dma_start3A_24] : memref<100000x128xf32, #tpu.memory_space<hbm>> -> memref<100000x128xf32, #tpu.memory_space<hbm>>
    tpu.enqueue_indirect_dma source(%dma_start3A_25 : memref<100000x128xf32, #tpu.memory_space<hbm>>) target(%dma_start3A_20 : memref<128x128xf32, #tpu.memory_space<vmem>>) offsets(%dma_start3A_22 : memref<128xi32, #tpu.memory_space<vmem>>) semaphore(%arg7 : memref<!tpu.dma_semaphore, #tpu.memory_space<semaphore_mem>>)
    %scan3A = arith.constant 0 : i32
    %scan3A_26 = arith.constant 0 : i32
    %scan3A_27 = arith.constant 25 : i32
    %scan3A_28 = arith.addi %scan3A_26, %scan3A_27 : i32
    %scan3A_29 = arith.constant 1 : i32
    scf.for %scan3A_67 = %scan3A_26 to %scan3A_28 step %scan3A_29  : i32 {
      %rem3A_68 = arith.constant 3 : i32
      %rem3A_69 = arith.remsi %scan3A_67, %rem3A_68 : i32
      %ge3A = arith.constant 2 : i32
      %ge3A_70 = arith.cmpi sge, %scan3A_67, %ge3A : i32
      %convert_element_type3A = arith.extui %ge3A_70 : i1 to i32
      %cond3A = arith.constant 0 : i32
      %cond3A_71 = arith.cmpi ne, %convert_element_type3A, %cond3A : i32
      scf.if %cond3A_71 {
        %sub3A = arith.constant 2 : i32
        %sub3A_117 = arith.subi %scan3A_67, %sub3A : i32
        %rem3A_118 = arith.constant 3 : i32
        %rem3A_119 = arith.remsi %sub3A_117, %rem3A_118 : i32
        %dma_wait3A_120 = arith.constant 0 : i32
        %dma_wait3A_121 = arith.constant 0 : i32
        %dma_wait3A_122 = arith.constant 0 : i32
        %dma_wait3A_123 = tpu.memref_slice %arg6[%rem3A_119, %dma_wait3A_120, %dma_wait3A_121, %dma_wait3A_122] : memref<3x2x128x128xf32, #tpu.memory_space<vmem>> -> memref<1x2x128x128xf32, #tpu.memory_space<vmem>>
        %dma_wait3A_124 = tpu.memref_squeeze %dma_wait3A_123 : memref<1x2x128x128xf32, #tpu.memory_space<vmem>> -> memref<2x128x128xf32, #tpu.memory_space<vmem>>
        %dma_wait3A_125 = arith.constant 0 : i32
        %dma_wait3A_126 = arith.constant 0 : i32
        %dma_wait3A_127 = tpu.memref_slice %arg4[%mul3A_2, %dma_wait3A_125, %dma_wait3A_126] : memref<1600x128x128xf32, #tpu.memory_space<hbm>> -> memref<2x128x128xf32, #tpu.memory_space<hbm>>
        %dma_wait3A_128 = arith.constant 0 : i32
        %dma_wait3A_129 = arith.constant 0 : i32
        %dma_wait3A_130 = tpu.memref_slice %arg4[%mul3A_2, %dma_wait3A_128, %dma_wait3A_129] : memref<1600x128x128xf32, #tpu.memory_space<hbm>> -> memref<2x128x128xf32, #tpu.memory_space<hbm>>
        %dma_wait3A_131 = arith.constant 0 : i32
        %dma_wait3A_132 = arith.constant 0 : i32
        %dma_wait3A_133 = arith.constant 0 : i32
        %dma_wait3A_134 = tpu.memref_slice %arg6[%rem3A_119, %dma_wait3A_131, %dma_wait3A_132, %dma_wait3A_133] : memref<3x2x128x128xf32, #tpu.memory_space<vmem>> -> memref<1x2x128x128xf32, #tpu.memory_space<vmem>>
        %dma_wait3A_135 = tpu.memref_squeeze %dma_wait3A_134 : memref<1x2x128x128xf32, #tpu.memory_space<vmem>> -> memref<2x128x128xf32, #tpu.memory_space<vmem>>
        tpu.wait_dma2 semaphore(%arg8 : memref<!tpu.dma_semaphore, #tpu.memory_space<semaphore_mem>>) src(%dma_wait3A_135 : memref<2x128x128xf32, #tpu.memory_space<vmem>>) dst(%dma_wait3A_130 : memref<2x128x128xf32, #tpu.memory_space<hbm>>)
      } else {
      }
      %add3A_72 = arith.constant 1 : i32
      %add3A_73 = arith.addi %scan3A_67, %add3A_72 : i32
      %lt3A = arith.constant 25 : i32
      %lt3A_74 = arith.cmpi slt, %add3A_73, %lt3A : i32
      %convert_element_type3A_75 = arith.extui %lt3A_74 : i1 to i32
      %cond3A_76 = arith.constant 0 : i32
      %cond3A_77 = arith.cmpi ne, %convert_element_type3A_75, %cond3A_76 : i32
      scf.if %cond3A_77 {
        %add3A_117 = arith.constant 1 : i32
        %add3A_118 = arith.addi %scan3A_67, %add3A_117 : i32
        %add3A_119 = arith.constant 1 : i32
        %add3A_120 = arith.addi %scan3A_67, %add3A_119 : i32
        %rem3A_121 = arith.constant 3 : i32
        %rem3A_122 = arith.remsi %add3A_120, %rem3A_121 : i32
        %mul3A_123 = arith.constant 2 : i32
        %mul3A_124 = arith.muli %add3A_118, %mul3A_123 : i32
        %add3A_125 = arith.constant 0 : i32
        %add3A_126 = arith.addi %mul3A_124, %add3A_125 : i32
        %mul3A_127 = arith.constant 128 : i32
        %mul3A_128 = arith.muli %add3A_126, %mul3A_127 : i32
        %dma_start3A_129 = arith.constant 0 : i32
        %dma_start3A_130 = arith.constant 0 : i32
        %dma_start3A_131 = arith.constant 0 : i32
        %dma_start3A_132 = tpu.memref_slice %arg6[%rem3A_122, %dma_start3A_129, %dma_start3A_130, %dma_start3A_131] : memref<3x2x128x128xf32, #tpu.memory_space<vmem>> -> memref<1x1x128x128xf32, #tpu.memory_space<vmem>>
        %dma_start3A_133 = tpu.memref_squeeze %dma_start3A_132 : memref<1x1x128x128xf32, #tpu.memory_space<vmem>> -> memref<128x128xf32, #tpu.memory_space<vmem>>
        %dma_start3A_134 = tpu.memref_slice %arg5[%mul3A_128] : memref<6400xi32, #tpu.memory_space<vmem>> -> memref<128xi32, #tpu.memory_space<vmem>>
        %dma_start3A_135 = arith.constant 0 : i32
        %dma_start3A_136 = arith.constant 0 : i32
        %dma_start3A_137 = tpu.memref_slice %arg3[%dma_start3A_135, %dma_start3A_136] : memref<100000x128xf32, #tpu.memory_space<hbm>> -> memref<100000x128xf32, #tpu.memory_space<hbm>>
        tpu.enqueue_indirect_dma source(%dma_start3A_137 : memref<100000x128xf32, #tpu.memory_space<hbm>>) target(%dma_start3A_133 : memref<128x128xf32, #tpu.memory_space<vmem>>) offsets(%dma_start3A_134 : memref<128xi32, #tpu.memory_space<vmem>>) semaphore(%arg7 : memref<!tpu.dma_semaphore, #tpu.memory_space<semaphore_mem>>)
        %mul3A_138 = arith.constant 2 : i32
        %mul3A_139 = arith.muli %add3A_118, %mul3A_138 : i32
        %add3A_140 = arith.constant 1 : i32
        %add3A_141 = arith.addi %mul3A_139, %add3A_140 : i32
        %mul3A_142 = arith.constant 128 : i32
        %mul3A_143 = arith.muli %add3A_141, %mul3A_142 : i32
        %dma_start3A_144 = arith.constant 1 : i32
        %dma_start3A_145 = arith.constant 0 : i32
        %dma_start3A_146 = arith.constant 0 : i32
        %dma_start3A_147 = tpu.memref_slice %arg6[%rem3A_122, %dma_start3A_144, %dma_start3A_145, %dma_start3A_146] : memref<3x2x128x128xf32, #tpu.memory_space<vmem>> -> memref<1x1x128x128xf32, #tpu.memory_space<vmem>>
        %dma_start3A_148 = tpu.memref_squeeze %dma_start3A_147 : memref<1x1x128x128xf32, #tpu.memory_space<vmem>> -> memref<128x128xf32, #tpu.memory_space<vmem>>
        %dma_start3A_149 = tpu.memref_slice %arg5[%mul3A_143] : memref<6400xi32, #tpu.memory_space<vmem>> -> memref<128xi32, #tpu.memory_space<vmem>>
        %dma_start3A_150 = arith.constant 0 : i32
        %dma_start3A_151 = arith.constant 0 : i32
        %dma_start3A_152 = tpu.memref_slice %arg3[%dma_start3A_150, %dma_start3A_151] : memref<100000x128xf32, #tpu.memory_space<hbm>> -> memref<100000x128xf32, #tpu.memory_space<hbm>>
        tpu.enqueue_indirect_dma source(%dma_start3A_152 : memref<100000x128xf32, #tpu.memory_space<hbm>>) target(%dma_start3A_148 : memref<128x128xf32, #tpu.memory_space<vmem>>) offsets(%dma_start3A_149 : memref<128xi32, #tpu.memory_space<vmem>>) semaphore(%arg7 : memref<!tpu.dma_semaphore, #tpu.memory_space<semaphore_mem>>)
      } else {
      }
      %dma_wait3A_78 = arith.constant 0 : i32
      %dma_wait3A_79 = arith.constant 0 : i32
      %dma_wait3A_80 = arith.constant 0 : i32
      %dma_wait3A_81 = tpu.memref_slice %arg6[%rem3A_69, %dma_wait3A_78, %dma_wait3A_79, %dma_wait3A_80] : memref<3x2x128x128xf32, #tpu.memory_space<vmem>> -> memref<1x1x128x128xf32, #tpu.memory_space<vmem>>
      %dma_wait3A_82 = tpu.memref_squeeze %dma_wait3A_81 : memref<1x1x128x128xf32, #tpu.memory_space<vmem>> -> memref<128x128xf32, #tpu.memory_space<vmem>>
      %dma_wait3A_83 = arith.constant 0 : i32
      %dma_wait3A_84 = tpu.memref_slice %arg5[%dma_wait3A_83] : memref<6400xi32, #tpu.memory_space<vmem>> -> memref<128xi32, #tpu.memory_space<vmem>>
      %dma_wait3A_85 = arith.constant 0 : i32
      %dma_wait3A_86 = arith.constant 0 : i32
      %dma_wait3A_87 = tpu.memref_slice %arg3[%dma_wait3A_85, %dma_wait3A_86] : memref<100000x128xf32, #tpu.memory_space<hbm>> -> memref<100000x128xf32, #tpu.memory_space<hbm>>
      tpu.wait_indirect_dma semaphore(%arg7 : memref<!tpu.dma_semaphore, #tpu.memory_space<semaphore_mem>>) src(%dma_wait3A_87 : memref<100000x128xf32, #tpu.memory_space<hbm>>) dst(%dma_wait3A_82 : memref<128x128xf32, #tpu.memory_space<vmem>>)
      %dma_wait3A_88 = arith.constant 1 : i32
      %dma_wait3A_89 = arith.constant 0 : i32
      %dma_wait3A_90 = arith.constant 0 : i32
      %dma_wait3A_91 = tpu.memref_slice %arg6[%rem3A_69, %dma_wait3A_88, %dma_wait3A_89, %dma_wait3A_90] : memref<3x2x128x128xf32, #tpu.memory_space<vmem>> -> memref<1x1x128x128xf32, #tpu.memory_space<vmem>>
      %dma_wait3A_92 = tpu.memref_squeeze %dma_wait3A_91 : memref<1x1x128x128xf32, #tpu.memory_space<vmem>> -> memref<128x128xf32, #tpu.memory_space<vmem>>
      %dma_wait3A_93 = arith.constant 0 : i32
      %dma_wait3A_94 = tpu.memref_slice %arg5[%dma_wait3A_93] : memref<6400xi32, #tpu.memory_space<vmem>> -> memref<128xi32, #tpu.memory_space<vmem>>
      %dma_wait3A_95 = arith.constant 0 : i32
      %dma_wait3A_96 = arith.constant 0 : i32
      %dma_wait3A_97 = tpu.memref_slice %arg3[%dma_wait3A_95, %dma_wait3A_96] : memref<100000x128xf32, #tpu.memory_space<hbm>> -> memref<100000x128xf32, #tpu.memory_space<hbm>>
      tpu.wait_indirect_dma semaphore(%arg7 : memref<!tpu.dma_semaphore, #tpu.memory_space<semaphore_mem>>) src(%dma_wait3A_97 : memref<100000x128xf32, #tpu.memory_space<hbm>>) dst(%dma_wait3A_92 : memref<128x128xf32, #tpu.memory_space<vmem>>)
      %mul3A_98 = arith.constant 2 : i32
      %mul3A_99 = arith.muli %scan3A_67, %mul3A_98 : i32
      %add3A_100 = arith.addi %mul3A_2, %mul3A_99 : i32
      %dma_start3A_101 = arith.constant 0 : i32
      %dma_start3A_102 = arith.constant 0 : i32
      %dma_start3A_103 = arith.constant 0 : i32
      %dma_start3A_104 = tpu.memref_slice %arg6[%rem3A_69, %dma_start3A_101, %dma_start3A_102, %dma_start3A_103] : memref<3x2x128x128xf32, #tpu.memory_space<vmem>> -> memref<1x2x128x128xf32, #tpu.memory_space<vmem>>
      %dma_start3A_105 = tpu.memref_squeeze %dma_start3A_104 : memref<1x2x128x128xf32, #tpu.memory_space<vmem>> -> memref<2x128x128xf32, #tpu.memory_space<vmem>>
      %dma_start3A_106 = arith.constant 0 : i32
      %dma_start3A_107 = arith.constant 0 : i32
      %dma_start3A_108 = tpu.memref_slice %arg4[%add3A_100, %dma_start3A_106, %dma_start3A_107] : memref<1600x128x128xf32, #tpu.memory_space<hbm>> -> memref<2x128x128xf32, #tpu.memory_space<hbm>>
      %dma_start3A_109 = arith.constant 0 : i32
      %dma_start3A_110 = arith.constant 0 : i32
      %dma_start3A_111 = tpu.memref_slice %arg4[%add3A_100, %dma_start3A_109, %dma_start3A_110] : memref<1600x128x128xf32, #tpu.memory_space<hbm>> -> memref<2x128x128xf32, #tpu.memory_space<hbm>>
      %dma_start3A_112 = arith.constant 0 : i32
      %dma_start3A_113 = arith.constant 0 : i32
      %dma_start3A_114 = arith.constant 0 : i32
      %dma_start3A_115 = tpu.memref_slice %arg6[%rem3A_69, %dma_start3A_112, %dma_start3A_113, %dma_start3A_114] : memref<3x2x128x128xf32, #tpu.memory_space<vmem>> -> memref<1x2x128x128xf32, #tpu.memory_space<vmem>>
      %dma_start3A_116 = tpu.memref_squeeze %dma_start3A_115 : memref<1x2x128x128xf32, #tpu.memory_space<vmem>> -> memref<2x128x128xf32, #tpu.memory_space<vmem>>
      tpu.enqueue_dma source(%dma_start3A_116 : memref<2x128x128xf32, #tpu.memory_space<vmem>>) target(%dma_start3A_111 : memref<2x128x128xf32, #tpu.memory_space<hbm>>) target_semaphore(%arg8 : memref<!tpu.dma_semaphore, #tpu.memory_space<semaphore_mem>>)
    }
    %scan3A_30 = arith.constant 25 : i32
    %rem3A = arith.constant 23 : i32
    %rem3A_31 = arith.constant 3 : i32
    %rem3A_32 = arith.remsi %rem3A, %rem3A_31 : i32
    %dma_wait3A = arith.constant 0 : i32
    %dma_wait3A_33 = arith.constant 0 : i32
    %dma_wait3A_34 = arith.constant 0 : i32
    %dma_wait3A_35 = tpu.memref_slice %arg6[%rem3A_32, %dma_wait3A, %dma_wait3A_33, %dma_wait3A_34] : memref<3x2x128x128xf32, #tpu.memory_space<vmem>> -> memref<1x2x128x128xf32, #tpu.memory_space<vmem>>
    %dma_wait3A_36 = tpu.memref_squeeze %dma_wait3A_35 : memref<1x2x128x128xf32, #tpu.memory_space<vmem>> -> memref<2x128x128xf32, #tpu.memory_space<vmem>>
    %dma_wait3A_37 = arith.constant 0 : i32
    %dma_wait3A_38 = arith.constant 0 : i32
    %dma_wait3A_39 = tpu.memref_slice %arg4[%mul3A_2, %dma_wait3A_37, %dma_wait3A_38] : memref<1600x128x128xf32, #tpu.memory_space<hbm>> -> memref<2x128x128xf32, #tpu.memory_space<hbm>>
    %dma_wait3A_40 = arith.constant 0 : i32
    %dma_wait3A_41 = arith.constant 0 : i32
    %dma_wait3A_42 = tpu.memref_slice %arg4[%mul3A_2, %dma_wait3A_40, %dma_wait3A_41] : memref<1600x128x128xf32, #tpu.memory_space<hbm>> -> memref<2x128x128xf32, #tpu.memory_space<hbm>>
    %dma_wait3A_43 = arith.constant 0 : i32
    %dma_wait3A_44 = arith.constant 0 : i32
    %dma_wait3A_45 = arith.constant 0 : i32
    %dma_wait3A_46 = tpu.memref_slice %arg6[%rem3A_32, %dma_wait3A_43, %dma_wait3A_44, %dma_wait3A_45] : memref<3x2x128x128xf32, #tpu.memory_space<vmem>> -> memref<1x2x128x128xf32, #tpu.memory_space<vmem>>
    %dma_wait3A_47 = tpu.memref_squeeze %dma_wait3A_46 : memref<1x2x128x128xf32, #tpu.memory_space<vmem>> -> memref<2x128x128xf32, #tpu.memory_space<vmem>>
    tpu.wait_dma2 semaphore(%arg8 : memref<!tpu.dma_semaphore, #tpu.memory_space<semaphore_mem>>) src(%dma_wait3A_47 : memref<2x128x128xf32, #tpu.memory_space<vmem>>) dst(%dma_wait3A_42 : memref<2x128x128xf32, #tpu.memory_space<hbm>>)
    %rem3A_48 = arith.constant 24 : i32
    %rem3A_49 = arith.constant 3 : i32
    %rem3A_50 = arith.remsi %rem3A_48, %rem3A_49 : i32
    %dma_wait3A_51 = arith.constant 0 : i32
    %dma_wait3A_52 = arith.constant 0 : i32
    %dma_wait3A_53 = arith.constant 0 : i32
    %dma_wait3A_54 = tpu.memref_slice %arg6[%rem3A_50, %dma_wait3A_51, %dma_wait3A_52, %dma_wait3A_53] : memref<3x2x128x128xf32, #tpu.memory_space<vmem>> -> memref<1x2x128x128xf32, #tpu.memory_space<vmem>>
    %dma_wait3A_55 = tpu.memref_squeeze %dma_wait3A_54 : memref<1x2x128x128xf32, #tpu.memory_space<vmem>> -> memref<2x128x128xf32, #tpu.memory_space<vmem>>
    %dma_wait3A_56 = arith.constant 0 : i32
    %dma_wait3A_57 = arith.constant 0 : i32
    %dma_wait3A_58 = tpu.memref_slice %arg4[%mul3A_2, %dma_wait3A_56, %dma_wait3A_57] : memref<1600x128x128xf32, #tpu.memory_space<hbm>> -> memref<2x128x128xf32, #tpu.memory_space<hbm>>
    %dma_wait3A_59 = arith.constant 0 : i32
    %dma_wait3A_60 = arith.constant 0 : i32
    %dma_wait3A_61 = tpu.memref_slice %arg4[%mul3A_2, %dma_wait3A_59, %dma_wait3A_60] : memref<1600x128x128xf32, #tpu.memory_space<hbm>> -> memref<2x128x128xf32, #tpu.memory_space<hbm>>
    %dma_wait3A_62 = arith.constant 0 : i32
    %dma_wait3A_63 = arith.constant 0 : i32
    %dma_wait3A_64 = arith.constant 0 : i32
    %dma_wait3A_65 = tpu.memref_slice %arg6[%rem3A_50, %dma_wait3A_62, %dma_wait3A_63, %dma_wait3A_64] : memref<3x2x128x128xf32, #tpu.memory_space<vmem>> -> memref<1x2x128x128xf32, #tpu.memory_space<vmem>>
    %dma_wait3A_66 = tpu.memref_squeeze %dma_wait3A_65 : memref<1x2x128x128xf32, #tpu.memory_space<vmem>> -> memref<2x128x128xf32, #tpu.memory_space<vmem>>
    tpu.wait_dma2 semaphore(%arg8 : memref<!tpu.dma_semaphore, #tpu.memory_space<semaphore_mem>>) src(%dma_wait3A_66 : memref<2x128x128xf32, #tpu.memory_space<vmem>>) dst(%dma_wait3A_61 : memref<2x128x128xf32, #tpu.memory_space<hbm>>)
    return
  }
}

module attributes {stable_mosaic.version = 14 : i64} {
  func.func @_tc_body(%arg0: i32, %arg1: memref<5120x1xf32, #tpu.memory_space<vmem>>, %arg2: memref<5120x1xf32, #tpu.memory_space<vmem>>, %arg3: memref<5120x128xf32, #tpu.memory_space<vmem>>, %arg4: memref<1x64xf32, #tpu.memory_space<vmem>>, %arg5: memref<1x128xf32, #tpu.memory_space<vmem>>, %arg6: memref<64x4xf32, #tpu.memory_space<vmem>>, %arg7: memref<1x16xf32, #tpu.memory_space<vmem>>, %arg8: memref<1x16xf32, #tpu.memory_space<vmem>>, %arg9: memref<16x128xf32, #tpu.memory_space<vmem>>, %arg10: memref<1x128xf32, #tpu.memory_space<vmem>>, %arg11: memref<128x2xf32, #tpu.memory_space<vmem>>, %arg12: memref<1x128xf32, #tpu.memory_space<vmem>>, %arg13: memref<1x128xf32, #tpu.memory_space<vmem>>, %arg14: memref<5120x128xf32, #tpu.memory_space<vmem>>) attributes {dimension_semantics = [#tpu.dimension_semantics<arbitrary>], iteration_bounds = array<i64: 40>, scalar_prefetch = 0 : i64, scratch_operands = 0 : i64, tpu.core_type = #tpu.core_type<tc>, window_params = [{transform_indices = @transform_0, window_bounds = array<i64: 5120, 1>}, {transform_indices = @transform_1, window_bounds = array<i64: 5120, 1>}, {transform_indices = @transform_2, window_bounds = array<i64: 5120, 128>}, {pipeline_mode = #tpu.pipeline_mode<synchronous>, transform_indices = @transform_3, window_bounds = array<i64: 1, 64>}, {pipeline_mode = #tpu.pipeline_mode<synchronous>, transform_indices = @transform_4, window_bounds = array<i64: 1, 128>}, {pipeline_mode = #tpu.pipeline_mode<synchronous>, transform_indices = @transform_5, window_bounds = array<i64: 64, 4>}, {pipeline_mode = #tpu.pipeline_mode<synchronous>, transform_indices = @transform_6, window_bounds = array<i64: 1, 16>}, {pipeline_mode = #tpu.pipeline_mode<synchronous>, transform_indices = @transform_7, window_bounds = array<i64: 1, 16>}, {pipeline_mode = #tpu.pipeline_mode<synchronous>, transform_indices = @transform_8, window_bounds = array<i64: 16, 128>}, {pipeline_mode = #tpu.pipeline_mode<synchronous>, transform_indices = @transform_9, window_bounds = array<i64: 1, 128>}, {pipeline_mode = #tpu.pipeline_mode<synchronous>, transform_indices = @transform_10, window_bounds = array<i64: 128, 2>}, {pipeline_mode = #tpu.pipeline_mode<synchronous>, transform_indices = @transform_11, window_bounds = array<i64: 1, 128>}, {pipeline_mode = #tpu.pipeline_mode<synchronous>, transform_indices = @transform_12, window_bounds = array<i64: 1, 128>}, {transform_indices = @transform_13, window_bounds = array<i64: 5120, 128>}]} {
    %get3A = arith.constant 0 : index
    %get3A_0 = arith.constant 0 : index
    %get3A_1 = vector.load %arg1[%get3A, %get3A_0] : memref<5120x1xf32, #tpu.memory_space<vmem>>, vector<5120x1xf32>
    %get3A_2 = arith.constant 0 : index
    %get3A_3 = arith.constant 0 : index
    %get3A_4 = vector.load %arg2[%get3A_2, %get3A_3] : memref<5120x1xf32, #tpu.memory_space<vmem>>, vector<5120x1xf32>
    %get3A_5 = arith.constant 0 : index
    %get3A_6 = arith.constant 0 : index
    %get3A_7 = vector.load %arg4[%get3A_5, %get3A_6] : memref<1x64xf32, #tpu.memory_space<vmem>>, vector<1x64xf32>
    %dot_general3A = arith.constant dense<0.000000e+00> : vector<5120x64xf32>
    %dot_general3A_8 = tpu.matmul %get3A_1, %get3A_7, %dot_general3A {dimension_numbers = #tpu.dot_dimension_numbers<[1], [0], [0], [1], [0, 0, 1, 1], [], []>, transpose_lhs_hint = false} : vector<5120x1xf32>, vector<1x64xf32>, vector<5120x64xf32> -> vector<5120x64xf32>
    %iota3A = tpu.iota {dimensions = array<i32: 1>} : vector<5120x64xi32>
    %convert_element_type3A = arith.sitofp %iota3A : vector<5120x64xi32> to vector<5120x64xf32>
    %eq3A = arith.cmpf oeq, %dot_general3A_8, %convert_element_type3A : vector<5120x64xf32>
    %jit3A = arith.constant 1.000000e+00 : f32
    %jit3A_9 = arith.constant 0.000000e+00 : f32
    %broadcast_in_dim3A = vector.broadcast %jit3A : f32 to vector<5120x64xf32>
    %broadcast_in_dim3A_10 = vector.broadcast %jit3A_9 : f32 to vector<5120x64xf32>
    %select_n3A = arith.select %eq3A, %broadcast_in_dim3A, %broadcast_in_dim3A_10 : vector<5120x64xi1>, vector<5120x64xf32>
    %get3A_11 = arith.constant 0 : index
    %get3A_12 = arith.constant 0 : index
    %get3A_13 = vector.load %arg6[%get3A_11, %get3A_12] : memref<64x4xf32, #tpu.memory_space<vmem>>, vector<64x4xf32>
    %dot_general3A_14 = arith.constant dense<0.000000e+00> : vector<5120x4xf32>
    %dot_general3A_15 = tpu.matmul %select_n3A, %get3A_13, %dot_general3A_14 {dimension_numbers = #tpu.dot_dimension_numbers<[1], [0], [0], [1], [0, 0, 1, 1], [], []>, transpose_lhs_hint = false} : vector<5120x64xf32>, vector<64x4xf32>, vector<5120x4xf32> -> vector<5120x4xf32>
    %slice3A = vector.extract_strided_slice %dot_general3A_15 {offsets = [0, 0], sizes = [5120, 1], strides = [1, 1]} : vector<5120x4xf32> to vector<5120x1xf32>
    %slice3A_16 = vector.extract_strided_slice %dot_general3A_15 {offsets = [0, 1], sizes = [5120, 1], strides = [1, 1]} : vector<5120x4xf32> to vector<5120x1xf32>
    %slice3A_17 = vector.extract_strided_slice %dot_general3A_15 {offsets = [0, 2], sizes = [5120, 1], strides = [1, 1]} : vector<5120x4xf32> to vector<5120x1xf32>
    %mul3A = arith.mulf %get3A_4, %slice3A : vector<5120x1xf32>
    %sub3A = arith.subf %mul3A, %slice3A_16 : vector<5120x1xf32>
    %get3A_18 = arith.constant 0 : index
    %get3A_19 = arith.constant 0 : index
    %get3A_20 = vector.load %arg7[%get3A_18, %get3A_19] : memref<1x16xf32, #tpu.memory_space<vmem>>, vector<1x16xf32>
    %dot_general3A_21 = arith.constant dense<0.000000e+00> : vector<5120x16xf32>
    %dot_general3A_22 = tpu.matmul %sub3A, %get3A_20, %dot_general3A_21 {dimension_numbers = #tpu.dot_dimension_numbers<[1], [0], [0], [1], [0, 0, 1, 1], [], []>, transpose_lhs_hint = false} : vector<5120x1xf32>, vector<1x16xf32>, vector<5120x16xf32> -> vector<5120x16xf32>
    %get3A_23 = arith.constant 0 : index
    %get3A_24 = arith.constant 0 : index
    %get3A_25 = vector.load %arg8[%get3A_23, %get3A_24] : memref<1x16xf32, #tpu.memory_space<vmem>>, vector<1x16xf32>
    %add3A = vector.broadcast %get3A_25 : vector<1x16xf32> to vector<5120x16xf32>
    %add3A_26 = arith.addf %dot_general3A_22, %add3A : vector<5120x16xf32>
    %max3A = arith.constant 0.000000e+00 : f32
    %max3A_27 = vector.broadcast %max3A : f32 to vector<5120x16xf32>
    %max3A_28 = arith.maximumf %add3A_26, %max3A_27 : vector<5120x16xf32>
    %get3A_29 = arith.constant 0 : index
    %get3A_30 = arith.constant 0 : index
    %get3A_31 = vector.load %arg9[%get3A_29, %get3A_30] : memref<16x128xf32, #tpu.memory_space<vmem>>, vector<16x128xf32>
    %dot_general3A_32 = arith.constant dense<0.000000e+00> : vector<5120x128xf32>
    %dot_general3A_33 = tpu.matmul %max3A_28, %get3A_31, %dot_general3A_32 {dimension_numbers = #tpu.dot_dimension_numbers<[1], [0], [0], [1], [0, 0, 1, 1], [], []>, transpose_lhs_hint = false} : vector<5120x16xf32>, vector<16x128xf32>, vector<5120x128xf32> -> vector<5120x128xf32>
    %get3A_34 = arith.constant 0 : index
    %get3A_35 = arith.constant 0 : index
    %get3A_36 = vector.load %arg10[%get3A_34, %get3A_35] : memref<1x128xf32, #tpu.memory_space<vmem>>, vector<1x128xf32>
    %add3A_37 = vector.broadcast %get3A_36 : vector<1x128xf32> to vector<5120x128xf32>
    %add3A_38 = arith.addf %dot_general3A_33, %add3A_37 : vector<5120x128xf32>
    %get3A_39 = arith.constant 0 : index
    %get3A_40 = arith.constant 0 : index
    %get3A_41 = vector.load %arg5[%get3A_39, %get3A_40] : memref<1x128xf32, #tpu.memory_space<vmem>>, vector<1x128xf32>
    %dot_general3A_42 = arith.constant dense<0.000000e+00> : vector<5120x128xf32>
    %dot_general3A_43 = tpu.matmul %slice3A_17, %get3A_41, %dot_general3A_42 {dimension_numbers = #tpu.dot_dimension_numbers<[1], [0], [0], [1], [0, 0, 1, 1], [], []>, transpose_lhs_hint = false} : vector<5120x1xf32>, vector<1x128xf32>, vector<5120x128xf32> -> vector<5120x128xf32>
    %get3A_44 = arith.constant 0 : index
    %get3A_45 = arith.constant 0 : index
    %get3A_46 = vector.load %arg3[%get3A_44, %get3A_45] : memref<5120x128xf32, #tpu.memory_space<vmem>>, vector<5120x128xf32>
    %sub3A_47 = arith.subf %add3A_38, %get3A_46 : vector<5120x128xf32>
    %mul3A_48 = arith.mulf %dot_general3A_43, %sub3A_47 : vector<5120x128xf32>
    %add3A_49 = arith.addf %get3A_46, %mul3A_48 : vector<5120x128xf32>
    %get3A_50 = arith.constant 0 : index
    %get3A_51 = arith.constant 0 : index
    %get3A_52 = vector.load %arg11[%get3A_50, %get3A_51] : memref<128x2xf32, #tpu.memory_space<vmem>>, vector<128x1xf32>
    %dot_general3A_53 = arith.constant dense<0.000000e+00> : vector<5120x1xf32>
    %dot_general3A_54 = tpu.matmul %add3A_49, %get3A_52, %dot_general3A_53 {dimension_numbers = #tpu.dot_dimension_numbers<[1], [0], [0], [1], [0, 0, 1, 1], [], []>, transpose_lhs_hint = false} : vector<5120x128xf32>, vector<128x1xf32>, vector<5120x1xf32> -> vector<5120x1xf32>
    %mul3A_55 = arith.mulf %add3A_49, %add3A_49 : vector<5120x128xf32>
    %get3A_56 = arith.constant 0 : index
    %get3A_57 = arith.constant 1 : index
    %get3A_58 = vector.load %arg11[%get3A_56, %get3A_57] : memref<128x2xf32, #tpu.memory_space<vmem>>, vector<128x1xf32>
    %dot_general3A_59 = arith.constant dense<0.000000e+00> : vector<5120x1xf32>
    %dot_general3A_60 = tpu.matmul %mul3A_55, %get3A_58, %dot_general3A_59 {dimension_numbers = #tpu.dot_dimension_numbers<[1], [0], [0], [1], [0, 0, 1, 1], [], []>, transpose_lhs_hint = false} : vector<5120x128xf32>, vector<128x1xf32>, vector<5120x1xf32> -> vector<5120x1xf32>
    %mul3A_61 = arith.mulf %dot_general3A_54, %dot_general3A_54 : vector<5120x1xf32>
    %sub3A_62 = arith.subf %dot_general3A_60, %mul3A_61 : vector<5120x1xf32>
    %add3A_63 = arith.constant 9.99999974E-6 : f32
    %add3A_64 = vector.broadcast %add3A_63 : f32 to vector<5120x1xf32>
    %add3A_65 = arith.addf %sub3A_62, %add3A_64 : vector<5120x1xf32>
    %rsqrt3A = math.rsqrt %add3A_65 : vector<5120x1xf32>
    %get3A_66 = arith.constant 0 : index
    %get3A_67 = arith.constant 0 : index
    %get3A_68 = vector.load %arg12[%get3A_66, %get3A_67] : memref<1x128xf32, #tpu.memory_space<vmem>>, vector<1x128xf32>
    %dot_general3A_69 = arith.constant dense<0.000000e+00> : vector<5120x128xf32>
    %dot_general3A_70 = tpu.matmul %rsqrt3A, %get3A_68, %dot_general3A_69 {dimension_numbers = #tpu.dot_dimension_numbers<[1], [0], [0], [1], [0, 0, 1, 1], [], []>, transpose_lhs_hint = false} : vector<5120x1xf32>, vector<1x128xf32>, vector<5120x128xf32> -> vector<5120x128xf32>
    %neg3A = arith.constant 0.000000e+00 : f32
    %neg3A_71 = vector.broadcast %neg3A : f32 to vector<5120x1xf32>
    %neg3A_72 = arith.subf %neg3A_71, %dot_general3A_54 : vector<5120x1xf32>
    %mul3A_73 = arith.mulf %neg3A_72, %rsqrt3A : vector<5120x1xf32>
    %get3A_74 = arith.constant 0 : index
    %get3A_75 = arith.constant 0 : index
    %get3A_76 = vector.load %arg12[%get3A_74, %get3A_75] : memref<1x128xf32, #tpu.memory_space<vmem>>, vector<1x128xf32>
    %dot_general3A_77 = arith.constant dense<0.000000e+00> : vector<5120x128xf32>
    %dot_general3A_78 = tpu.matmul %mul3A_73, %get3A_76, %dot_general3A_77 {dimension_numbers = #tpu.dot_dimension_numbers<[1], [0], [0], [1], [0, 0, 1, 1], [], []>, transpose_lhs_hint = false} : vector<5120x1xf32>, vector<1x128xf32>, vector<5120x128xf32> -> vector<5120x128xf32>
    %mul3A_79 = arith.mulf %add3A_49, %dot_general3A_70 : vector<5120x128xf32>
    %get3A_80 = arith.constant 0 : index
    %get3A_81 = arith.constant 0 : index
    %get3A_82 = vector.load %arg13[%get3A_80, %get3A_81] : memref<1x128xf32, #tpu.memory_space<vmem>>, vector<1x128xf32>
    %add3A_83 = vector.broadcast %get3A_82 : vector<1x128xf32> to vector<5120x128xf32>
    %add3A_84 = arith.addf %dot_general3A_78, %add3A_83 : vector<5120x128xf32>
    %add3A_85 = arith.addf %mul3A_79, %add3A_84 : vector<5120x128xf32>
    %swap3A = arith.constant 0 : index
    %swap3A_86 = arith.constant 0 : index
    %swap3A_87 = vector.load %arg14[%swap3A, %swap3A_86] : memref<5120x128xf32, #tpu.memory_space<vmem>>, vector<5120x128xf32>
    tpu.vector_store %arg14[%swap3A, %swap3A_86], %add3A_85 {strides = array<i32>} : memref<5120x128xf32, #tpu.memory_space<vmem>>, vector<5120x128xf32>,
    return
  }
  func.func @transform_0(%arg0: i32) -> (i32, i32) {
    %add3A = arith.constant 0 : i32
    %add3A_0 = arith.addi %add3A, %arg0 : i32
    %c0_i32 = arith.constant 0 : i32
    %c0_i32_1 = arith.constant 0 : i32
    return %add3A_0, %c0_i32 : i32, i32
  }
  func.func @transform_1(%arg0: i32) -> (i32, i32) {
    %add3A = arith.constant 0 : i32
    %add3A_0 = arith.addi %add3A, %arg0 : i32
    %c0_i32 = arith.constant 0 : i32
    %c0_i32_1 = arith.constant 0 : i32
    return %add3A_0, %c0_i32 : i32, i32
  }
  func.func @transform_2(%arg0: i32) -> (i32, i32) {
    %c0_i32 = arith.constant 0 : i32
    %c0_i32_0 = arith.constant 0 : i32
    return %arg0, %c0_i32 : i32, i32
  }
  func.func @transform_3(%arg0: i32) -> (i32, i32) {
    %c0_i32 = arith.constant 0 : i32
    %c0_i32_0 = arith.constant 0 : i32
    %c0_i32_1 = arith.constant 0 : i32
    return %c0_i32, %c0_i32_0 : i32, i32
  }
  func.func @transform_4(%arg0: i32) -> (i32, i32) {
    %c0_i32 = arith.constant 0 : i32
    %c0_i32_0 = arith.constant 0 : i32
    %c0_i32_1 = arith.constant 0 : i32
    return %c0_i32, %c0_i32_0 : i32, i32
  }
  func.func @transform_5(%arg0: i32) -> (i32, i32) {
    %c0_i32 = arith.constant 0 : i32
    %c0_i32_0 = arith.constant 0 : i32
    %c0_i32_1 = arith.constant 0 : i32
    return %c0_i32, %c0_i32_0 : i32, i32
  }
  func.func @transform_6(%arg0: i32) -> (i32, i32) {
    %c0_i32 = arith.constant 0 : i32
    %c0_i32_0 = arith.constant 0 : i32
    %c0_i32_1 = arith.constant 0 : i32
    return %c0_i32, %c0_i32_0 : i32, i32
  }
  func.func @transform_7(%arg0: i32) -> (i32, i32) {
    %c0_i32 = arith.constant 0 : i32
    %c0_i32_0 = arith.constant 0 : i32
    %c0_i32_1 = arith.constant 0 : i32
    return %c0_i32, %c0_i32_0 : i32, i32
  }
  func.func @transform_8(%arg0: i32) -> (i32, i32) {
    %c0_i32 = arith.constant 0 : i32
    %c0_i32_0 = arith.constant 0 : i32
    %c0_i32_1 = arith.constant 0 : i32
    return %c0_i32, %c0_i32_0 : i32, i32
  }
  func.func @transform_9(%arg0: i32) -> (i32, i32) {
    %c0_i32 = arith.constant 0 : i32
    %c0_i32_0 = arith.constant 0 : i32
    %c0_i32_1 = arith.constant 0 : i32
    return %c0_i32, %c0_i32_0 : i32, i32
  }
  func.func @transform_10(%arg0: i32) -> (i32, i32) {
    %c0_i32 = arith.constant 0 : i32
    %c0_i32_0 = arith.constant 0 : i32
    %c0_i32_1 = arith.constant 0 : i32
    return %c0_i32, %c0_i32_0 : i32, i32
  }
  func.func @transform_11(%arg0: i32) -> (i32, i32) {
    %c0_i32 = arith.constant 0 : i32
    %c0_i32_0 = arith.constant 0 : i32
    %c0_i32_1 = arith.constant 0 : i32
    return %c0_i32, %c0_i32_0 : i32, i32
  }
  func.func @transform_12(%arg0: i32) -> (i32, i32) {
    %c0_i32 = arith.constant 0 : i32
    %c0_i32_0 = arith.constant 0 : i32
    %c0_i32_1 = arith.constant 0 : i32
    return %c0_i32, %c0_i32_0 : i32, i32
  }
  func.func @transform_13(%arg0: i32) -> (i32, i32) {
    %add3A = arith.constant 0 : i32
    %add3A_0 = arith.addi %add3A, %arg0 : i32
    %c0_i32 = arith.constant 0 : i32
    %c0_i32_1 = arith.constant 0 : i32
    return %add3A_0, %c0_i32 : i32, i32
  }
}

</mosaic_0001>

<sc_bundles>
// kernel: kernel.4.cloned.1.call-start
scs
__scs_entry_jumppad:
0x0: {  	(pc) =	sbr.rel $0x88, $3  }
0x1: {  	(tag) =	ssettag $0x0;
	lr =	simm.s32 $0x1  }
0x2: {  	[smem:$0x3F94] =	sst lr;
	_ =	strace $0xD0000000  }
0x3: {  	_ = 	snop  }
0x4: {  	_ = 	snop  }
0x5: {  	_ = 	snop  }
0x6: {  	_ = 	snop  }
0x7: {  	_ = 	snop  }
__scs_overlays_trampoline_lowered:
0x8: {  	[smem:$0x3FA3] =	sst s0  }
0x9: {  	[smem:$0x3FA4] =	sst s1  }
0xa: {  	[smem:$0x3FA5] =	sst s2  }
0xb: {  	[smem:$0x3FA6] =	sst s3  }
0xc: {  	[smem:$0x3FA7] =	sst s4  }
0xd: {  	[smem:$0x3FA8] =	sst s5  }
0xe: {  	[smem:$0x3FA9] =	sst s6  }
0xf: {  	[smem:$0x3FAA] =	sst s7  }
0x10: {  	[smem:$0x3FAB] =	sst s8  }
0x11: {  	[smem:$0x3FAC] =	sst s9;
	s0 =	simm.s32 @!p0 $0x0  }
0x12: {  	s1 =	sld [smem:$0x3F92];
	s0 =	simm.s32 @p0 $0x1  }
0x13: {  	[smem:$0x3FAD] =	sst s0;
	s0 =	simm.s32 @!p1 $0x0  }
0x14: {  	s2 =	sld [smem:$0x3F91];
	s0 =	simm.s32 @p1 $0x1  }
0x15: {  	[smem:$0x3FAE] =	sst s0;
	s0 =	simm.s32 @!p2 $0x0  }
0x16: {  	s3 =	sld [smem:$0x3FDB];
	s0 =	simm.s32 @p2 $0x1  }
0x17: {  	s4 =	simm.s32 $0x1BF5;
	[smem:$0x3FB0] =	sst s0  }
0x18: {  	s0 =	sld [smem:$0x3F93];
	_ =	swait.ge [sflag:s4], $0x0  }
0x19: {  	s7 =	sld [smem:$0x3F94]  }
0x1a: {  	s8 =	sadd.s32 $0xFFFFE003, lr  }
0x1b: {  	s9 =	sadd.s32 $0xFFFFFEF7, lr;
	s5 =	simm.s32 $0xFFFFFFFF;
	p2 =	slt.u32 s8, $0xFFFFF086  }
0x1c: {  	p1 =	slt.u32 s9, $0xF7A;
	s5 =	simm.s32 @!p2 $0x0  }
0x1d: {  	s5 =	simm.s32 @p1 $0x1;
	p0 =	seq.s32 s7, s2  }
0x1e: {  	s7 =	smul.u32 @!p0 $0xF7A, s2;
	p2 =	seq.s32 @!p0 s5, $0x0  }
0x1f: {  	s9 =	smul.u32 $0xF7A, s1;
	s8 =	simm.s32 @!p0 $0x1BF5;
	p2 =	por !p2, p0  }
0x20: {  	[sflag:s8] =	ssyncset.s32 @!p0 $0xFFFFF086;
	s6 =	sadd.s32 @!p0 s3, s7;
	s7 =	simm.s32 @!p0 $0x108  }
0x21: {  	s3 =	sadd.s32 s3, s9;
	s6 =	sadd.s32 @!p0 $0x88, s6;
	s7 =	simm.s32 @p2 $0x1082  }
0x22: {  	[simem:s7], [sflag:s8] =	dma.local @!p0 [hbm:s6], $0xF7A  }
0x23: {  	s9 =	sor.u32 $0xD0000000, s2;
	s6 =	simm.s32 $0x108;
	_ =	swait.ge @!p0 [sflag:s8], $0x0  }
0x24: {  	s3 =	sadd.s32 $0x88, s3;
	s6 =	simm.s32 @!p1 $0x1082;
	[sflag:s4] =	ssyncset.s32 $0xFFFFF086  }
0x25: {  	[simem:s6], [sflag:s4] =	dma.local [hbm:s3], $0xF7A  }
0x26: {  	[smem:$0x3F94] =	sst s1;
	(tag) =	ssettag s2;
	_ =	strace s9  }
0x27: {  	s1 =	sld [smem:$0x3FA4]  }
0x28: {  	s2 =	sld [smem:$0x3FA5]  }
0x29: {  	s4 =	sld [smem:$0x3FA7]  }
0x2a: {  	p0 =	seq.s32 s5, $0x0;
	s5 =	sld [smem:$0x3FA8]  }
0x2b: {  	s6 =	sld [smem:$0x3FA9]  }
0x2c: {  	s7 =	sld [smem:$0x3FAA]  }
0x2d: {  	s3 =	simm.s32 $0x108;
	s8 =	sld [smem:$0x3FAB]  }
0x2e: {  	s3 =	simm.s32 @!p0 $0x1082;
	s9 =	sld [smem:$0x3FAC]  }
0x2f: {  	lr =	sadd.s32 s0, s3;
	s0 =	sld [smem:$0x3FA3]  }
0x30: {  	s3 =	sld [smem:$0x3FA6]  }
0x31: {  	[smem:$0x3FAF] =	sst s10  }
0x32: {  	s10 =	sld [smem:$0x3FAD];
	_ =	sdelay $0x3  }
0x33: {  	p0 =	seq.s32 s10, $0x1;
	s10 =	sld [smem:$0x3FAF];
	_ =	sdelay $0x3  }
0x34: {  	[smem:$0x3FAF] =	sst s10  }
0x35: {  	s10 =	sld [smem:$0x3FAE];
	_ =	sdelay $0x3  }
0x36: {  	p1 =	seq.s32 s10, $0x1;
	s10 =	sld [smem:$0x3FAF];
	_ =	sdelay $0x3  }
0x37: {  	[smem:$0x3FAF] =	sst s10  }
0x38: {  	s10 =	sld [smem:$0x3FB0]  }
0x39: {  	_ = 	snop;
	(pc) =	sbr.ind lr, $3  }
0x3a: {  	_ = 	snop  }
0x3b: {  	_ = 	snop  }
0x3c: {  	p2 =	seq.s32 s10, $0x1;
	s10 =	sld [smem:$0x3FAF]  }
0x3d: {  	_ =	shalt  }
0x3e: {  	_ =	shalt  }
0x3f: {  	_ =	shalt  }
0x40: {  	_ =	shalt  }
0x41: {  	_ =	shalt  }
0x42: {  	_ =	shalt  }
0x43: {  	_ =	shalt  }
0x44: {  	_ =	shalt  }
0x45: {  	_ =	shalt  }
0x46: {  	_ =	shalt  }
0x47: {  	_ =	shalt  }
0x48: {  	_ =	shalt  }
0x49: {  	_ =	shalt  }
0x4a: {  	_ =	shalt  }
0x4b: {  	_ =	shalt  }
0x4c: {  	_ =	shalt  }
0x4d: {  	_ =	shalt  }
0x4e: {  	_ =	shalt  }
0x4f: {  	_ =	shalt  }
0x50: {  	_ =	shalt  }
0x51: {  	_ =	shalt  }
0x52: {  	_ =	shalt  }
0x53: {  	_ =	shalt  }
0x54: {  	_ =	shalt  }
0x55: {  	_ =	shalt  }
0x56: {  	_ =	shalt  }
0x57: {  	_ =	shalt  }
0x58: {  	_ =	shalt  }
0x59: {  	_ =	shalt  }
0x5a: {  	_ =	shalt  }
0x5b: {  	_ =	shalt  }
0x5c: {  	_ =	shalt  }
0x5d: {  	_ =	shalt  }
0x5e: {  	_ =	shalt  }
0x5f: {  	_ =	shalt  }
0x60: {  	_ =	shalt  }
0x61: {  	_ =	shalt  }
0x62: {  	_ =	shalt  }
0x63: {  	_ =	shalt  }
0x64: {  	_ =	shalt  }
0x65: {  	_ =	shalt  }
0x66: {  	_ =	shalt  }
0x67: {  	_ =	shalt  }
0x68: {  	_ =	shalt  }
0x69: {  	_ =	shalt  }
0x6a: {  	_ =	shalt  }
0x6b: {  	_ =	shalt  }
0x6c: {  	_ =	shalt  }
0x6d: {  	_ =	shalt  }
0x6e: {  	_ =	shalt  }
0x6f: {  	_ =	shalt  }
0x70: {  	_ =	shalt  }
0x71: {  	_ =	shalt  }
0x72: {  	_ =	shalt  }
0x73: {  	_ =	shalt  }
0x74: {  	_ =	shalt  }
0x75: {  	_ =	shalt  }
0x76: {  	_ =	shalt  }
0x77: {  	_ =	shalt  }
0x78: {  	_ =	shalt  }
0x79: {  	_ =	shalt  }
0x7a: {  	_ =	shalt  }
0x7b: {  	_ =	shalt  }
0x7c: {  	_ =	shalt  }
0x7d: {  	_ =	shalt  }
0x7e: {  	_ =	shalt  }
0x7f: {  	_ =	shalt  }
0x80: {  	_ =	shalt  }
0x81: {  	_ =	shalt  }
0x82: {  	_ =	shalt  }
0x83: {  	_ =	shalt  }
0x84: {  	_ =	shalt  }
0x85: {  	_ =	shalt  }
0x86: {  	_ =	shalt  }
0x87: {  	_ =	shalt  }
.Lfunc_end0:
.L_simem_size_0:
called_computation_lowered:
.L_overlay_start_0:
0x88: {  	s2 =	sld [smem:$0x3FD9]  }
0x89: {  	s3 =	sld [smem:$0x3FFE];
	_ =	sdelay $0x1  }
0x8a: {  	s1 =	srdreg.scid  }
0x8b: {  	s0 =	sand.u32 $0x1, s1  }
0x8c: {  	s17 =	sshll.u32 s0, $0xA;
	s2 =	sadd.s32 s3, s2  }
0x8d: {  	s2 =	sadd.s32 s2, s17  }
0x8e: {  	[smem:$0x3FBB] =	sst s2  }
0x8f: {  	_ = 	snop  }
0x90: {  	s2 =	sld [smem:$0x3FBF]  }
0x91: {  	s18 =	sld [smem:$0x3FD0];
	(tm) =	ssettm $0x1  }
0x92: {  	s4 =	sld [smem:$0x3FFB];
	_ =	sdelay $0x3  }
0x93: {  	_ =	strace s4  }
0x94: {  	s4 =	sld [smem:$0x3FFC];
	_ =	sdelay $0x3  }
0x95: {  	_ =	strace s4  }
0x96: {  	s4 =	sld [smem:$0x3FFD];
	_ =	sdelay $0x3  }
0x97: {  	_ =	strace s4  }
0x98: {  	_ =	strace $0x8FFFFFFF  }
0x99: {  	s19 =	sld [smem:$0x3FDB];
	_ =	sdelay $0x1  }
0x9a: {  	s5 =	simm.s32 $_scs_section_size  }
0x9b: {  	s6 =	simm.s32 $_size__tile_overlayer_lowered;
	s7 =	simm.s32 $_tile_overlayer_lowered  }
0x9c: {  	s22 =	simm.s32 $0x1BFF;
	s21 =	sshll.u32 s7, $0x1;
	s4 =	sadd.s32 s5, s19  }
0x9d: {  	s8 =	simm.s32 $0x0;
	s20 =	sshll.u32 s6, $0x1;
	s6 =	sadd.s32 s21, s4  }
0x9e: {  	[timem:s8], [sflag:s22] =	dma.local [hbm:s6], s20  }
0x9f: {  	_ =	swait.ge [sflag:s22], s20  }
0xa0: {  	s5 =	ssub.s32 $0x0, s20;
	[sflag:s22] =	ssyncset.done $0x0  }
0xa1: {  	[sflag:s22] =	ssyncadd.s32 s5;
	_ =	sdelay $0x1  }
0xa2: {  	s23 =	simm.s32 $0x1B8B  }
0xa3: {  	_ =	swait.ge [sflag:s23], $0x1  }
0xa4: {  	[sflag:s23] =	ssyncset.done $0x0  }
0xa5: {  	s25 =	simm.s32 $0x1B8E;
	s24 =	sld [smem:$0x3FFE];
	[sflag:s23] =	ssyncadd.s32 $0xFFFFFFFF  }
0xa6: {  	s26 =	simm.s32 $execute0_lowered;
	[smem:$0x3FD2] =	sst s25  }
0xa7: {  	s6 =	sshll.u32 s26, $0x1;
	_ =	strace $0x80000046;
	[dreg:$0x1] =	wrdreg $0xFFFFFFFF  }
0xa8: {  	s28 =	simm.s32 $_size_execute0_lowered;
	s4 =	sadd.s32 s4, s6;
	[dreg:$0x0] =	wrdreg $0x0  }
0xa9: {  	s6 =	sshll.u32 s28, $0x1;
	[dreg:$0x2] =	wrdreg s4  }
0xaa: {  	[dreg:$0x3] =	wrdreg s6  }
0xab: {  	[dreg:$0x4] =	wrdreg $0xC0  }
0xac: {  	_ =	task [dreg:s8], $0x5FFFF  }
0xad: {  	[dreg:$0x1] =	wrdreg $0xFFFFFFFF  }
0xae: {  	[dreg:$0x0] =	wrdreg $0x60  }
0xaf: {  	[dreg:$0x2] =	wrdreg s18  }
0xb0: {  	[dreg:$0x3] =	wrdreg s2  }
0xb1: {  	[dreg:$0x4] =	wrdreg s24  }
0xb2: {  	[dreg:$0x5] =	wrdreg $0x9  }
0xb3: {  	_ =	task.clear_ibuf [dreg:s8], $0x6FFFF;
	_ =	strace $0x90000046  }
0xb4: {  	s29 =	simm.s32 $0x9;
	_ =	strace $0x80000048  }
0xb5: {  	_ =	swait.ge [sflag:s29], $0x1  }
0xb6: {  	[sflag:s29] =	ssyncadd.s32 $0xFFFFFFFF  }
0xb7: {  	_ =	strace $0x90000048  }
0xb8: {  	_ =	sfence  }
0xb9: {  	s30 =	sld [smem:$0x0];
	_ =	sdelay $0x2  }
0xba: {  	s31 =	sshll.u32 s1, $0xD;
	s1 =	sshrl.u32 s1, $0x2  }
0xbb: {  	s3 =	sand.u32 $0x4000, s31;
	s1 =	sadd.s32 s1, s30  }
0xbc: {  	s0 =	sor.u32 s3, s0;
	s1 =	sshll.u32 s1, $0x11  }
0xbd: {  	s0 =	sor.u32 s1, s0  }
0xbe: {  	s0 =	sadd.s32 $0x8F2B, s0  }
0xbf: {  	[sflag:s0] =	ssyncadd.remote.s32 $0x1  }
0xc0: {  	_ =	sfence.sel $0xFFFF  }
0xc1: {  	[dreg:$0x0] =	wrdreg $0xFFFFFFFF;
	(pc) =	sbr.abs _section_cstart, $3  }
0xc2: {  	[dreg:$0x1] =	wrdreg $0xFFFFFFFF  }
0xc3: {  	_ =	task.clear_ibuf [dreg:s8], $0x2FFFF;
	_ =	strace $0x9FFFFFFF  }
0xc4: {  	(tm) =	ssettm $0x7FFFFFFF  }
0xc5: {  	_ =	shalt  }
tec
execute0_lowered:
.L_overlay_start_1:
0x0: {  	(tag) =	ssettag $0x1  }
0x1: {  	s5 =	rddreg [dreg:$0x0]  }
0x2: {  	s2 =	rddreg [dreg:$0x1];
	s1 =	srdreg.scid  }
0x3: {  	s0 =	stileid.u32;
	s4 =	rddreg [dreg:$0x2];
	s3 =	simm.s32 $0x0  }
0x4: {  	s10 =	simm.s32 $0x1900;
	s11 =	simm.s32 $0x5900;
	s12 =	simm.s32 $0x1  }
0x5: {  	s13 =	simm.s32 $0x2;
	s6 =	sand.u32 $0x1, s1;
	s7 =	sshll.u32 s0, $0x1  }
0x6: {  	s14 =	simm.s32 $0x0;
	s1 =	rddreg [dreg:$0x3];
	s7 =	sor.u32 s6, s7  }
0x7: {  	[smem:$0x7FF] =	sst s3;
	s6 =	ssub.s32 $0x2, s6;
	s8 =	smul.u32 $0x320, s7  }
0x8: {  	s4 =	sadd.s32 $0x1C00, s4;
	_ =	strace $0x80000047;
	s9 =	sshrl.u32 s6, $0x1  }
0x9: {  	s9 =	ssub.s32 s6, s9;
	s6 =	smul.u32 $0xC8000, s7;
	s5 =	sadd.s32 s5, s8  }
0xa: {  	s7 =	smax.u32 s9, $0x1;
	s8 =	simm.s32 $0x3;
	s9 =	simm.s32 $0x80  }
.LBB2_1:
0xb: {  	[tilespmem:s3], [sflag:$0x3] =	stream.linear.gather [hbm4b:s5+s3], $0x1900, $0x38;
	[tilespmem:$0x19900] =	vst v63  }
0xc: {  	_ =	swait.ge [sflag:s8], $0x1900  }
0xd: {  	[sflag:s8] =	ssyncset.done $0x0  }
0xe: {  	[sflag:s8] =	ssyncadd.s32 $0xFFFFE700  }
0xf: {  	[tilespmem:s10], [sflag:$0x1] =	stream.indirect.gather [hbm4b:s2+s9], $0x80, s3, s9, $0xb8;
	[tilespmem:$0x19900] =	vst v63  }
0x10: {  	s15 =	simm.s32 $0x0  }
0x11: {  	[tilespmem:s11], [sflag:$0x1] =	stream.indirect.gather [hbm4b:s2+s9], $0x80, s9, s9, $0xb8;
	[tilespmem:$0x19900] =	vst v63  }
.LBB2_2:
0x12: {  	p0 =	slt.u32 s15, $0x2  }
0x13: {  	s16 =	simm.s32 @!p0 $0x2  }
0x14: {  	_ =	swait.ge @!p0 [sflag:s16], $0x8000  }
0x15: {  	p1 =	seq.s32 @!p0 s15, $0x18;
	[sflag:s16] =	ssyncset.done @!p0 $0x0  }
0x16: {  	p1 =	por p0, !p1;
	[sflag:s16] =	ssyncadd.s32 @!p0 $0xFFFF8000;
	s16 =	simm.s32 @!p0 $0x19  }
0x17: {  	s16 =	sadd.s32 @p1 $0x1, s15  }
0x18: {  	s17 =	smul.u32 @p1 $0xAB, s16;
	_ =	sdelay $0x1  }
0x19: {  	s17 =	sshrl.u32 @p1 s17, $0x9  }
0x1a: {  	s17 =	sand.u32 @p1 $0x7F, s17  }
0x1b: {  	s17 =	smul.u32 @p1 $0x3, s17;
	_ =	sdelay $0x1  }
0x1c: {  	s17 =	ssub.s32 @p1 s16, s17  }
0x1d: {  	s17 =	sand.u32 @p1 $0xFF, s17  }
0x1e: {  	s18 =	sshll.u32 @p1 s16, $0x8;
	s17 =	sshll.u32 @p1 s17, $0xF  }
0x1f: {  	s18 =	sand.u32 @p1 $0x3FFFFF00, s18;
	s19 =	sor.u32 @p1 $0x1900, s17  }
0x20: {  	[tilespmem:s19], [sflag:$0x1] =	stream.indirect.gather @p1 [hbm4b:s2+s9], $0x80, s18, s9, $0xb8;
	[tilespmem:$0x19900] =	vst v63  }
0x21: {  	s30 =	smul.u32 $0xAB, s15;
	s17 =	sor.u32 @p1 $0x5900, s17;
	s18 =	sor.u32 @p1 $0x80, s18  }
0x22: {  	[tilespmem:s17], [sflag:$0x1] =	stream.indirect.gather @p1 [hbm4b:s2+s9], $0x80, s18, s9, $0xb8;
	[tilespmem:$0x19900] =	vst v63  }
0x23: {  	s17 =	sshrl.u32 s30, $0x9  }
0x24: {  	s17 =	sand.u32 $0x7F, s17;
	_ =	swait.ge [sflag:s12], $0x4000  }
0x25: {  	s17 =	smul.u32 $0x3, s17;
	[sflag:s12] =	ssyncset.done $0x0  }
0x26: {  	s31 =	sshll.u32 s15, $0xF;
	[sflag:s12] =	ssyncadd.s32 $0xFFFFC000  }
0x27: {  	p0 =	slt.u32 s16, $0x19;
	s17 =	ssub.s32 s15, s17;
	_ =	swait.ge [sflag:s12], $0x4000  }
.Ltmp0:
0x28: {  	s15 =	sadd.s32 s6, s31;
	s17 =	sand.u32 $0xFF, s17;
	(pc) =	sbr.rel @p0 .LBB2_2-.Ltmp0, $4  }
0x29: {  	[sflag:s12] =	ssyncset.done $0x0;
	s15 =	sshrl.u32 s15, $0x3;
	s17 =	sshll.u32 s17, $0xF  }
0x2a: {  	[sflag:s12] =	ssyncadd.s32 $0xFFFFC000;
	s15 =	sadd.s32 s4, s15;
	s17 =	sor.u32 $0x1900, s17  }
0x2b: {  	[hbm4b:s15+s3] =	stream.linear.scatter [tilespmem:s17], [sflag:$0x2], $0x8000, $0x38;
	[tilespmem:$0x19900] =	vst v63  }
0x2c: {  	s15 =	smov.u32 s16  }
0x2d: {  	s14 =	sadd.s32 $0x1, s14  }
0x2e: {  	_ =	swait.ge [sflag:s13], $0x8000;
	p0 =	sne.s32 s14, s7  }
.Ltmp1:
0x2f: {  	[sflag:s13] =	ssyncset.done $0x0;
	(pc) =	sbr.rel @p0 .LBB2_1-.Ltmp1, $4  }
0x30: {  	[sflag:s13] =	ssyncadd.s32 $0xFFFF8000  }
0x31: {  	_ =	swait.ge [sflag:s13], $0x8000  }
0x32: {  	[sflag:s13] =	ssyncset.done $0x0  }
0x33: {  	[sflag:s13] =	ssyncadd.s32 $0xFFFF8000  }
0x34: {  	_ =	sfence.sel $0x180000  }
0x35: {  	[bflag:$0x0] =	sbarrier.arrive $0xFFFF  }
0x36: {  	p0 =	sne.s32 s0, $0x0;
	_ =	strace $0x90000047  }
0x37: {  	s0 =	sadd.s32 @!p0 $0x100000, s1;
	[bflag:$0x2] =	sbarrier.arrive $0xFFFF  }
0x38: {  	[sflag:s0] =	ssyncadd.tile.s32 @!p0 $0x1;
	_ =	shalt  }
.Lfunc_end2:
_tile_overlayer_lowered:
.L_overlay_start_2:
0x39: {  	(tag) =	ssettag $0x2  }
0x3a: {  	s0 =	rddreg [dreg:$0x0];
	s2 =	stileid.u32  }
0x3b: {  	s1 =	rddreg [dreg:$0x1];
	p0 =	sne.s32 s2, $0x0  }
0x3c: {  	s3 =	rddreg [dreg:$0x2];
	[bflag:$0x3] =	sbarrier.arrive $0xFFFF;
	s2 =	simm.s32 @!p0 $0x1C03  }
0x3d: {  	[timem:s3], [sflag:s2] =	dma.local @!p0 [hbm:s0], s1  }
0x3e: {  	s0 =	simm.s32 @!p0 $0x3  }
0x3f: {  	_ =	swait.ge @!p0 [sflag:s0], s1  }
0x40: {  	s1 =	ssub.s32 @!p0 $0x0, s1;
	[sflag:s0] =	ssyncset.done @!p0 $0x0  }
0x41: {  	[sflag:s0] =	ssyncadd.s32 @!p0 s1  }
0x42: {  	[bflag:$0x3] =	sbarrier.arrive $0xFFFF  }
0x43: {  	_ =	shalt  }

</sc_bundles>
